<compile_context>
chip_gen: v7x
topology: tpu7x:2x2x1
jax: 0.10.2.dev20260603
libtpu: 0.0.44.dev20260713+nightly
codegen_flags: <defaults>
</compile_context>

<pallas_src>
import functools

import jax
import jax.numpy as jnp
from jax import lax
from jax.experimental import pallas as pl
from jax.experimental.pallas import tpu as pltpu
from jax.experimental.pallas import tpu_sc as plsc

B, S, D = 64, 1024, 768
NW = 32
ROWS = B * S
RPW = ROWS // NW
C = 32
NCHUNK = RPW // C
NBUF = 2
LOOKAHEAD = 1


def _sc_permute_gather(table, gidx):
    mesh = plsc.VectorSubcoreMesh(core_axis_name="c", subcore_axis_name="s")

    @functools.partial(
        pl.kernel,
        mesh=mesh,
        out_type=jax.ShapeDtypeStruct((ROWS, D), jnp.float32),
        scratch_types=[
            pltpu.VMEM((RPW,), jnp.int32),
            [pltpu.VMEM((C, D), jnp.float32) for _ in range(NBUF)],
            pltpu.VMEM_SHARED((16, NBUF, C, D), jnp.float32),
            [pltpu.SemaphoreType.DMA for _ in range(NBUF)],
            [pltpu.SemaphoreType.DMA for _ in range(NBUF)],
        ],
    )
    def k(table_hbm, gidx_hbm, out_hbm, idx_all, rows, rows_sh, gsem, ssem):
        sid = lax.axis_index("s")
        wid = sid * 2 + lax.axis_index("c")
        base = wid * RPW
        sh = [rows_sh.at[sid, b] for b in range(NBUF)]
        pltpu.sync_copy(gidx_hbm.at[pl.ds(base, RPW)], idx_all)

        def gather(c, b):
            pltpu.async_copy(
                table_hbm.at[idx_all.at[pl.ds(c * C, C)]], rows[b], gsem[b]
            )

        def drain_scatter(b):
            pltpu.make_async_copy(
                sh[b], out_hbm.at[pl.ds(base, C)], ssem[b]
            ).wait()

        for b in range(LOOKAHEAD):
            gather(b, b)

        def step(g, carry):
            for b in range(NBUF):
                u = g * NBUF + b
                nb = (b + LOOKAHEAD) % NBUF

                @pl.when(u + LOOKAHEAD < NCHUNK)
                def _():
                    @pl.when(u + LOOKAHEAD >= NBUF)
                    def _():
                        drain_scatter(nb)

                    gather(u + LOOKAHEAD, nb)

                pltpu.make_async_copy(
                    table_hbm.at[idx_all.at[pl.ds(0, C)]], rows[b], gsem[b]
                ).wait()
                pltpu.sync_copy(rows[b], sh[b])
                pltpu.async_copy(
                    sh[b], out_hbm.at[pl.ds(base + u * C, C)], ssem[b]
                )
            return carry

        lax.fori_loop(0, NCHUNK // NBUF, step, 0)

        for b in range(NBUF):
            drain_scatter(b)

    return k(table, gidx)


def kernel(x, forward_shuffle_idx):
    idx = forward_shuffle_idx.astype(jnp.int32)
    table = x.reshape(ROWS, D)
    gidx = (jnp.arange(B, dtype=jnp.int32)[:, None] * S + idx[None, :]).reshape(-1)
    out = _sc_permute_gather(table, gidx)
    return out.reshape(B, S, D)

# --- scband reference (transcript-rebuilt; emitter-appended) ---
"""Pipeline reference for scband-random-65798898975112 (READ-ONLY COPY).

The authoritative reference and input builder live on the scoring server;
editing this copy changes nothing except your own understanding.
"""

import jax, jax.numpy as jnp
import numpy as np

H, W = 32, 32

def setup_inputs(seed: int = 0) -> dict:
    key = jax.random.key(seed)
    x = jax.random.normal(key, (64, H * W, 768), dtype=jnp.float32)
    # Faithful to the torch module: fixed permutation from np.random.RandomState(1)
    fwd_idx = jnp.asarray(np.random.RandomState(1).permutation(H * W), dtype=jnp.int64)
    return {"x": x, "forward_shuffle_idx": fwd_idx}

def reference(x, forward_shuffle_idx):
    # Random.forward with reverse=False: x[:, forward_shuffle_idx]
    return jnp.take(x, forward_shuffle_idx, axis=1)

if __name__ == "__main__":
    import jax
    _d = setup_inputs()
    print(jax.jit(kernel)(*tuple(_d.values())))

</pallas_src>

<mosaic_0001>
#map = affine_map<(d0, d1) -> (0, 0)>
#map1 = affine_map<(d0, d1) -> (0)>
module attributes {stable_mosaic.version = 14 : i64} {
  func.func @k(%arg0: i32, %arg1: i32, %arg2: memref<65536x768xf32, #tpu.memory_space<hbm>>, %arg3: memref<65536xi32, #tpu.memory_space<hbm>>, %arg4: memref<65536x768xf32, #tpu.memory_space<hbm>>, %arg5: memref<2048xi32, #tpu.memory_space<vmem>>, %arg6: memref<32x768xf32, #tpu.memory_space<vmem>>, %arg7: memref<32x768xf32, #tpu.memory_space<vmem>>, %arg8: memref<16x2x32x768xf32, #tpu.memory_space<vmem_shared>>, %arg9: memref<!tpu.dma_semaphore, #tpu.memory_space<semaphore_mem>>, %arg10: memref<!tpu.dma_semaphore, #tpu.memory_space<semaphore_mem>>, %arg11: memref<!tpu.dma_semaphore, #tpu.memory_space<semaphore_mem>>, %arg12: memref<!tpu.dma_semaphore, #tpu.memory_space<semaphore_mem>>) attributes {dimension_semantics = [#tpu.dimension_semantics<core_parallel>, #tpu.dimension_semantics<subcore_parallel>], iteration_bounds = array<i64: 2, 16>, scalar_prefetch = 0 : i64, scratch_operands = 8 : i64, tpu.core_type = #tpu.core_type<sc_vector_subcore>, window_params = [{transform_indices = #map}, {transform_indices = #map1}, {transform_indices = #map}]} {
    %mul3A = arith.constant 2 : i32
    %mul3A_0 = arith.muli %arg1, %mul3A : i32
    %add3A = arith.addi %mul3A_0, %arg0 : i32
    %mul3A_1 = arith.constant 2048 : i32
    %mul3A_2 = arith.muli %add3A, %mul3A_1 : i32
    "tpu.region"() ({
      %run_scoped3A = tpu.sem_alloc : memref<!tpu.dma_semaphore, #tpu.memory_space<semaphore_mem>>
      %dma_start3A_27 = tpu.memref_slice %arg3[%mul3A_2] : memref<65536xi32, #tpu.memory_space<hbm>> -> memref<2048xi32, #tpu.memory_space<hbm>>
      %dma_start3A_28 = tpu.memref_slice %arg3[%mul3A_2] : memref<65536xi32, #tpu.memory_space<hbm>> -> memref<2048xi32, #tpu.memory_space<hbm>>
      tpu.enqueue_dma source(%dma_start3A_28 : memref<2048xi32, #tpu.memory_space<hbm>>) target(%arg5 : memref<2048xi32, #tpu.memory_space<vmem>>) target_semaphore(%run_scoped3A : memref<!tpu.dma_semaphore, #tpu.memory_space<semaphore_mem>>)
      %dma_wait3A_29 = tpu.memref_slice %arg3[%mul3A_2] : memref<65536xi32, #tpu.memory_space<hbm>> -> memref<2048xi32, #tpu.memory_space<hbm>>
      %dma_wait3A_30 = tpu.memref_slice %arg3[%mul3A_2] : memref<65536xi32, #tpu.memory_space<hbm>> -> memref<2048xi32, #tpu.memory_space<hbm>>
      tpu.wait_dma2 semaphore(%run_scoped3A : memref<!tpu.dma_semaphore, #tpu.memory_space<semaphore_mem>>) src(%dma_wait3A_30 : memref<2048xi32, #tpu.memory_space<hbm>>) dst(%arg5 : memref<2048xi32, #tpu.memory_space<vmem>>)
      tpu.yield
    }) : () -> ()
    %dma_start3A = arith.constant 0 : i32
    %dma_start3A_3 = tpu.memref_slice %arg5[%dma_start3A] : memref<2048xi32, #tpu.memory_space<vmem>> -> memref<32xi32, #tpu.memory_space<vmem>>
    %dma_start3A_4 = arith.constant 0 : i32
    %dma_start3A_5 = arith.constant 0 : i32
    %dma_start3A_6 = tpu.memref_slice %arg2[%dma_start3A_4, %dma_start3A_5] : memref<65536x768xf32, #tpu.memory_space<hbm>> -> memref<65536x768xf32, #tpu.memory_space<hbm>>
    tpu.enqueue_indirect_dma source(%dma_start3A_6 : memref<65536x768xf32, #tpu.memory_space<hbm>>) target(%arg6 : memref<32x768xf32, #tpu.memory_space<vmem>>) offsets(%dma_start3A_3 : memref<32xi32, #tpu.memory_space<vmem>>) semaphore(%arg9 : memref<!tpu.dma_semaphore, #tpu.memory_space<semaphore_mem>>)
    %scan3A = arith.constant 0 : i32
    %scan3A_7 = arith.constant 1 : i32
    %scan3A_8 = arith.constant 0 : i32
    %scan3A_9 = arith.constant 0 : i32
    %scan3A_10 = arith.constant 32 : i32
    %scan3A_11 = arith.addi %scan3A_9, %scan3A_10 : i32
    %scan3A_12 = arith.constant 1 : i32
    scf.for %scan3A_27 = %scan3A_9 to %scan3A_11 step %scan3A_12  : i32 {
      %mul3A_28 = arith.constant 2 : i32
      %mul3A_29 = arith.muli %scan3A_27, %mul3A_28 : i32
      %add3A_30 = arith.constant 0 : i32
      %add3A_31 = arith.addi %mul3A_29, %add3A_30 : i32
      %add3A_32 = arith.constant 1 : i32
      %add3A_33 = arith.addi %add3A_31, %add3A_32 : i32
      %lt3A = arith.constant 64 : i32
      %lt3A_34 = arith.cmpi slt, %add3A_33, %lt3A : i32
      %convert_element_type3A = arith.extui %lt3A_34 : i1 to i32
      %cond3A = arith.constant 0 : i32
      %cond3A_35 = arith.cmpi ne, %convert_element_type3A, %cond3A : i32
      scf.if %cond3A_35 {
        %add3A_75 = arith.constant 1 : i32
        %add3A_76 = arith.addi %add3A_31, %add3A_75 : i32
        %ge3A = arith.constant 2 : i32
        %ge3A_77 = arith.cmpi sge, %add3A_76, %ge3A : i32
        %convert_element_type3A_78 = arith.extui %ge3A_77 : i1 to i32
        %cond3A_79 = arith.constant 0 : i32
        %cond3A_80 = arith.cmpi ne, %convert_element_type3A_78, %cond3A_79 : i32
        scf.if %cond3A_80 {
          %dma_wait3A_89 = arith.constant 0 : i32
          %dma_wait3A_90 = tpu.memref_slice %arg4[%mul3A_2, %dma_wait3A_89] : memref<65536x768xf32, #tpu.memory_space<hbm>> -> memref<32x768xf32, #tpu.memory_space<hbm>>
          %dma_wait3A_91 = arith.constant 0 : i32
          %dma_wait3A_92 = arith.constant 0 : i32
          %dma_wait3A_93 = tpu.memref_slice %arg8[%arg1, %scan3A_7, %dma_wait3A_91, %dma_wait3A_92] : memref<16x2x32x768xf32, #tpu.memory_space<vmem_shared>> -> memref<1x1x32x768xf32, #tpu.memory_space<vmem_shared>>
          %dma_wait3A_94 = tpu.memref_squeeze %dma_wait3A_93 : memref<1x1x32x768xf32, #tpu.memory_space<vmem_shared>> -> memref<32x768xf32, #tpu.memory_space<vmem_shared>>
          tpu.wait_dma2 semaphore(%arg12 : memref<!tpu.dma_semaphore, #tpu.memory_space<semaphore_mem>>) src(%dma_wait3A_94 : memref<32x768xf32, #tpu.memory_space<vmem_shared>>) dst(%dma_wait3A_90 : memref<32x768xf32, #tpu.memory_space<hbm>>)
        } else {
        }
        %add3A_81 = arith.constant 1 : i32
        %add3A_82 = arith.addi %add3A_31, %add3A_81 : i32
        %mul3A_83 = arith.constant 32 : i32
        %mul3A_84 = arith.muli %add3A_82, %mul3A_83 : i32
        %dma_start3A_85 = tpu.memref_slice %arg5[%mul3A_84] : memref<2048xi32, #tpu.memory_space<vmem>> -> memref<32xi32, #tpu.memory_space<vmem>>
        %dma_start3A_86 = arith.constant 0 : i32
        %dma_start3A_87 = arith.constant 0 : i32
        %dma_start3A_88 = tpu.memref_slice %arg2[%dma_start3A_86, %dma_start3A_87] : memref<65536x768xf32, #tpu.memory_space<hbm>> -> memref<65536x768xf32, #tpu.memory_space<hbm>>
        tpu.enqueue_indirect_dma source(%dma_start3A_88 : memref<65536x768xf32, #tpu.memory_space<hbm>>) target(%arg7 : memref<32x768xf32, #tpu.memory_space<vmem>>) offsets(%dma_start3A_85 : memref<32xi32, #tpu.memory_space<vmem>>) semaphore(%arg10 : memref<!tpu.dma_semaphore, #tpu.memory_space<semaphore_mem>>)
      } else {
      }
      %dma_wait3A_36 = arith.constant 0 : i32
      %dma_wait3A_37 = tpu.memref_slice %arg5[%dma_wait3A_36] : memref<2048xi32, #tpu.memory_space<vmem>> -> memref<32xi32, #tpu.memory_space<vmem>>
      %dma_wait3A_38 = arith.constant 0 : i32
      %dma_wait3A_39 = arith.constant 0 : i32
      %dma_wait3A_40 = tpu.memref_slice %arg2[%dma_wait3A_38, %dma_wait3A_39] : memref<65536x768xf32, #tpu.memory_space<hbm>> -> memref<65536x768xf32, #tpu.memory_space<hbm>>
      tpu.wait_indirect_dma semaphore(%arg9 : memref<!tpu.dma_semaphore, #tpu.memory_space<semaphore_mem>>) src(%dma_wait3A_40 : memref<65536x768xf32, #tpu.memory_space<hbm>>) dst(%arg6 : memref<32x768xf32, #tpu.memory_space<vmem>>)
      "tpu.region"() ({
        %run_scoped3A = tpu.sem_alloc : memref<!tpu.dma_semaphore, #tpu.memory_space<semaphore_mem>>
        %dma_start3A_75 = arith.constant 0 : i32
        %dma_start3A_76 = arith.constant 0 : i32
        %dma_start3A_77 = tpu.memref_slice %arg8[%arg1, %scan3A_8, %dma_start3A_75, %dma_start3A_76] : memref<16x2x32x768xf32, #tpu.memory_space<vmem_shared>> -> memref<1x1x32x768xf32, #tpu.memory_space<vmem_shared>>
        %dma_start3A_78 = tpu.memref_squeeze %dma_start3A_77 : memref<1x1x32x768xf32, #tpu.memory_space<vmem_shared>> -> memref<32x768xf32, #tpu.memory_space<vmem_shared>>
        %dma_start3A_79 = arith.constant 0 : i32
        %dma_start3A_80 = arith.constant 0 : i32
        %dma_start3A_81 = tpu.memref_slice %arg8[%arg1, %scan3A_8, %dma_start3A_79, %dma_start3A_80] : memref<16x2x32x768xf32, #tpu.memory_space<vmem_shared>> -> memref<1x1x32x768xf32, #tpu.memory_space<vmem_shared>>
        %dma_start3A_82 = tpu.memref_squeeze %dma_start3A_81 : memref<1x1x32x768xf32, #tpu.memory_space<vmem_shared>> -> memref<32x768xf32, #tpu.memory_space<vmem_shared>>
        tpu.enqueue_dma source(%arg6 : memref<32x768xf32, #tpu.memory_space<vmem>>) target(%dma_start3A_82 : memref<32x768xf32, #tpu.memory_space<vmem_shared>>) target_semaphore(%run_scoped3A : memref<!tpu.dma_semaphore, #tpu.memory_space<semaphore_mem>>)
        %dma_wait3A_83 = arith.constant 0 : i32
        %dma_wait3A_84 = arith.constant 0 : i32
        %dma_wait3A_85 = tpu.memref_slice %arg8[%arg1, %scan3A_8, %dma_wait3A_83, %dma_wait3A_84] : memref<16x2x32x768xf32, #tpu.memory_space<vmem_shared>> -> memref<1x1x32x768xf32, #tpu.memory_space<vmem_shared>>
        %dma_wait3A_86 = tpu.memref_squeeze %dma_wait3A_85 : memref<1x1x32x768xf32, #tpu.memory_space<vmem_shared>> -> memref<32x768xf32, #tpu.memory_space<vmem_shared>>
        %dma_wait3A_87 = arith.constant 0 : i32
        %dma_wait3A_88 = arith.constant 0 : i32
        %dma_wait3A_89 = tpu.memref_slice %arg8[%arg1, %scan3A_8, %dma_wait3A_87, %dma_wait3A_88] : memref<16x2x32x768xf32, #tpu.memory_space<vmem_shared>> -> memref<1x1x32x768xf32, #tpu.memory_space<vmem_shared>>
        %dma_wait3A_90 = tpu.memref_squeeze %dma_wait3A_89 : memref<1x1x32x768xf32, #tpu.memory_space<vmem_shared>> -> memref<32x768xf32, #tpu.memory_space<vmem_shared>>
        tpu.wait_dma2 semaphore(%run_scoped3A : memref<!tpu.dma_semaphore, #tpu.memory_space<semaphore_mem>>) src(%arg6 : memref<32x768xf32, #tpu.memory_space<vmem>>) dst(%dma_wait3A_90 : memref<32x768xf32, #tpu.memory_space<vmem_shared>>)
        tpu.yield
      }) : () -> ()
      %mul3A_41 = arith.constant 32 : i32
      %mul3A_42 = arith.muli %add3A_31, %mul3A_41 : i32
      %add3A_43 = arith.addi %mul3A_2, %mul3A_42 : i32
      %dma_start3A_44 = arith.constant 0 : i32
      %dma_start3A_45 = tpu.memref_slice %arg4[%add3A_43, %dma_start3A_44] : memref<65536x768xf32, #tpu.memory_space<hbm>> -> memref<32x768xf32, #tpu.memory_space<hbm>>
      %dma_start3A_46 = arith.constant 0 : i32
      %dma_start3A_47 = arith.constant 0 : i32
      %dma_start3A_48 = tpu.memref_slice %arg8[%arg1, %scan3A_8, %dma_start3A_46, %dma_start3A_47] : memref<16x2x32x768xf32, #tpu.memory_space<vmem_shared>> -> memref<1x1x32x768xf32, #tpu.memory_space<vmem_shared>>
      %dma_start3A_49 = tpu.memref_squeeze %dma_start3A_48 : memref<1x1x32x768xf32, #tpu.memory_space<vmem_shared>> -> memref<32x768xf32, #tpu.memory_space<vmem_shared>>
      tpu.enqueue_dma source(%dma_start3A_49 : memref<32x768xf32, #tpu.memory_space<vmem_shared>>) target(%dma_start3A_45 : memref<32x768xf32, #tpu.memory_space<hbm>>) target_semaphore(%arg11 : memref<!tpu.dma_semaphore, #tpu.memory_space<semaphore_mem>>)
      %mul3A_50 = arith.constant 2 : i32
      %mul3A_51 = arith.muli %scan3A_27, %mul3A_50 : i32
      %add3A_52 = arith.constant 1 : i32
      %add3A_53 = arith.addi %mul3A_51, %add3A_52 : i32
      %add3A_54 = arith.constant 1 : i32
      %add3A_55 = arith.addi %add3A_53, %add3A_54 : i32
      %lt3A_56 = arith.constant 64 : i32
      %lt3A_57 = arith.cmpi slt, %add3A_55, %lt3A_56 : i32
      %convert_element_type3A_58 = arith.extui %lt3A_57 : i1 to i32
      %cond3A_59 = arith.constant 0 : i32
      %cond3A_60 = arith.cmpi ne, %convert_element_type3A_58, %cond3A_59 : i32
      scf.if %cond3A_60 {
        %add3A_75 = arith.constant 1 : i32
        %add3A_76 = arith.addi %add3A_53, %add3A_75 : i32
        %ge3A = arith.constant 2 : i32
        %ge3A_77 = arith.cmpi sge, %add3A_76, %ge3A : i32
        %convert_element_type3A_78 = arith.extui %ge3A_77 : i1 to i32
        %cond3A_79 = arith.constant 0 : i32
        %cond3A_80 = arith.cmpi ne, %convert_element_type3A_78, %cond3A_79 : i32
        scf.if %cond3A_80 {
          %dma_wait3A_89 = arith.constant 0 : i32
          %dma_wait3A_90 = tpu.memref_slice %arg4[%mul3A_2, %dma_wait3A_89] : memref<65536x768xf32, #tpu.memory_space<hbm>> -> memref<32x768xf32, #tpu.memory_space<hbm>>
          %dma_wait3A_91 = arith.constant 0 : i32
          %dma_wait3A_92 = arith.constant 0 : i32
          %dma_wait3A_93 = tpu.memref_slice %arg8[%arg1, %scan3A_8, %dma_wait3A_91, %dma_wait3A_92] : memref<16x2x32x768xf32, #tpu.memory_space<vmem_shared>> -> memref<1x1x32x768xf32, #tpu.memory_space<vmem_shared>>
          %dma_wait3A_94 = tpu.memref_squeeze %dma_wait3A_93 : memref<1x1x32x768xf32, #tpu.memory_space<vmem_shared>> -> memref<32x768xf32, #tpu.memory_space<vmem_shared>>
          tpu.wait_dma2 semaphore(%arg11 : memref<!tpu.dma_semaphore, #tpu.memory_space<semaphore_mem>>) src(%dma_wait3A_94 : memref<32x768xf32, #tpu.memory_space<vmem_shared>>) dst(%dma_wait3A_90 : memref<32x768xf32, #tpu.memory_space<hbm>>)
        } else {
        }
        %add3A_81 = arith.constant 1 : i32
        %add3A_82 = arith.addi %add3A_53, %add3A_81 : i32
        %mul3A_83 = arith.constant 32 : i32
        %mul3A_84 = arith.muli %add3A_82, %mul3A_83 : i32
        %dma_start3A_85 = tpu.memref_slice %arg5[%mul3A_84] : memref<2048xi32, #tpu.memory_space<vmem>> -> memref<32xi32, #tpu.memory_space<vmem>>
        %dma_start3A_86 = arith.constant 0 : i32
        %dma_start3A_87 = arith.constant 0 : i32
        %dma_start3A_88 = tpu.memref_slice %arg2[%dma_start3A_86, %dma_start3A_87] : memref<65536x768xf32, #tpu.memory_space<hbm>> -> memref<65536x768xf32, #tpu.memory_space<hbm>>
        tpu.enqueue_indirect_dma source(%dma_start3A_88 : memref<65536x768xf32, #tpu.memory_space<hbm>>) target(%arg6 : memref<32x768xf32, #tpu.memory_space<vmem>>) offsets(%dma_start3A_85 : memref<32xi32, #tpu.memory_space<vmem>>) semaphore(%arg9 : memref<!tpu.dma_semaphore, #tpu.memory_space<semaphore_mem>>)
      } else {
      }
      %dma_wait3A_61 = arith.constant 0 : i32
      %dma_wait3A_62 = tpu.memref_slice %arg5[%dma_wait3A_61] : memref<2048xi32, #tpu.memory_space<vmem>> -> memref<32xi32, #tpu.memory_space<vmem>>
      %dma_wait3A_63 = arith.constant 0 : i32
      %dma_wait3A_64 = arith.constant 0 : i32
      %dma_wait3A_65 = tpu.memref_slice %arg2[%dma_wait3A_63, %dma_wait3A_64] : memref<65536x768xf32, #tpu.memory_space<hbm>> -> memref<65536x768xf32, #tpu.memory_space<hbm>>
      tpu.wait_indirect_dma semaphore(%arg10 : memref<!tpu.dma_semaphore, #tpu.memory_space<semaphore_mem>>) src(%dma_wait3A_65 : memref<65536x768xf32, #tpu.memory_space<hbm>>) dst(%arg7 : memref<32x768xf32, #tpu.memory_space<vmem>>)
      "tpu.region"() ({
        %run_scoped3A = tpu.sem_alloc : memref<!tpu.dma_semaphore, #tpu.memory_space<semaphore_mem>>
        %dma_start3A_75 = arith.constant 0 : i32
        %dma_start3A_76 = arith.constant 0 : i32
        %dma_start3A_77 = tpu.memref_slice %arg8[%arg1, %scan3A_7, %dma_start3A_75, %dma_start3A_76] : memref<16x2x32x768xf32, #tpu.memory_space<vmem_shared>> -> memref<1x1x32x768xf32, #tpu.memory_space<vmem_shared>>
        %dma_start3A_78 = tpu.memref_squeeze %dma_start3A_77 : memref<1x1x32x768xf32, #tpu.memory_space<vmem_shared>> -> memref<32x768xf32, #tpu.memory_space<vmem_shared>>
        %dma_start3A_79 = arith.constant 0 : i32
        %dma_start3A_80 = arith.constant 0 : i32
        %dma_start3A_81 = tpu.memref_slice %arg8[%arg1, %scan3A_7, %dma_start3A_79, %dma_start3A_80] : memref<16x2x32x768xf32, #tpu.memory_space<vmem_shared>> -> memref<1x1x32x768xf32, #tpu.memory_space<vmem_shared>>
        %dma_start3A_82 = tpu.memref_squeeze %dma_start3A_81 : memref<1x1x32x768xf32, #tpu.memory_space<vmem_shared>> -> memref<32x768xf32, #tpu.memory_space<vmem_shared>>
        tpu.enqueue_dma source(%arg7 : memref<32x768xf32, #tpu.memory_space<vmem>>) target(%dma_start3A_82 : memref<32x768xf32, #tpu.memory_space<vmem_shared>>) target_semaphore(%run_scoped3A : memref<!tpu.dma_semaphore, #tpu.memory_space<semaphore_mem>>)
        %dma_wait3A_83 = arith.constant 0 : i32
        %dma_wait3A_84 = arith.constant 0 : i32
        %dma_wait3A_85 = tpu.memref_slice %arg8[%arg1, %scan3A_7, %dma_wait3A_83, %dma_wait3A_84] : memref<16x2x32x768xf32, #tpu.memory_space<vmem_shared>> -> memref<1x1x32x768xf32, #tpu.memory_space<vmem_shared>>
        %dma_wait3A_86 = tpu.memref_squeeze %dma_wait3A_85 : memref<1x1x32x768xf32, #tpu.memory_space<vmem_shared>> -> memref<32x768xf32, #tpu.memory_space<vmem_shared>>
        %dma_wait3A_87 = arith.constant 0 : i32
        %dma_wait3A_88 = arith.constant 0 : i32
        %dma_wait3A_89 = tpu.memref_slice %arg8[%arg1, %scan3A_7, %dma_wait3A_87, %dma_wait3A_88] : memref<16x2x32x768xf32, #tpu.memory_space<vmem_shared>> -> memref<1x1x32x768xf32, #tpu.memory_space<vmem_shared>>
        %dma_wait3A_90 = tpu.memref_squeeze %dma_wait3A_89 : memref<1x1x32x768xf32, #tpu.memory_space<vmem_shared>> -> memref<32x768xf32, #tpu.memory_space<vmem_shared>>
        tpu.wait_dma2 semaphore(%run_scoped3A : memref<!tpu.dma_semaphore, #tpu.memory_space<semaphore_mem>>) src(%arg7 : memref<32x768xf32, #tpu.memory_space<vmem>>) dst(%dma_wait3A_90 : memref<32x768xf32, #tpu.memory_space<vmem_shared>>)
        tpu.yield
      }) : () -> ()
      %mul3A_66 = arith.constant 32 : i32
      %mul3A_67 = arith.muli %add3A_53, %mul3A_66 : i32
      %add3A_68 = arith.addi %mul3A_2, %mul3A_67 : i32
      %dma_start3A_69 = arith.constant 0 : i32
      %dma_start3A_70 = tpu.memref_slice %arg4[%add3A_68, %dma_start3A_69] : memref<65536x768xf32, #tpu.memory_space<hbm>> -> memref<32x768xf32, #tpu.memory_space<hbm>>
      %dma_start3A_71 = arith.constant 0 : i32
      %dma_start3A_72 = arith.constant 0 : i32
      %dma_start3A_73 = tpu.memref_slice %arg8[%arg1, %scan3A_7, %dma_start3A_71, %dma_start3A_72] : memref<16x2x32x768xf32, #tpu.memory_space<vmem_shared>> -> memref<1x1x32x768xf32, #tpu.memory_space<vmem_shared>>
      %dma_start3A_74 = tpu.memref_squeeze %dma_start3A_73 : memref<1x1x32x768xf32, #tpu.memory_space<vmem_shared>> -> memref<32x768xf32, #tpu.memory_space<vmem_shared>>
      tpu.enqueue_dma source(%dma_start3A_74 : memref<32x768xf32, #tpu.memory_space<vmem_shared>>) target(%dma_start3A_70 : memref<32x768xf32, #tpu.memory_space<hbm>>) target_semaphore(%arg12 : memref<!tpu.dma_semaphore, #tpu.memory_space<semaphore_mem>>)
    }
    %scan3A_13 = arith.constant 32 : i32
    %dma_wait3A = arith.constant 0 : i32
    %dma_wait3A_14 = arith.constant 0 : i32
    %dma_wait3A_15 = tpu.memref_slice %arg4[%mul3A_2, %dma_wait3A_14] : memref<65536x768xf32, #tpu.memory_space<hbm>> -> memref<32x768xf32, #tpu.memory_space<hbm>>
    %dma_wait3A_16 = arith.constant 0 : i32
    %dma_wait3A_17 = arith.constant 0 : i32
    %dma_wait3A_18 = tpu.memref_slice %arg8[%arg1, %dma_wait3A, %dma_wait3A_16, %dma_wait3A_17] : memref<16x2x32x768xf32, #tpu.memory_space<vmem_shared>> -> memref<1x1x32x768xf32, #tpu.memory_space<vmem_shared>>
    %dma_wait3A_19 = tpu.memref_squeeze %dma_wait3A_18 : memref<1x1x32x768xf32, #tpu.memory_space<vmem_shared>> -> memref<32x768xf32, #tpu.memory_space<vmem_shared>>
    tpu.wait_dma2 semaphore(%arg11 : memref<!tpu.dma_semaphore, #tpu.memory_space<semaphore_mem>>) src(%dma_wait3A_19 : memref<32x768xf32, #tpu.memory_space<vmem_shared>>) dst(%dma_wait3A_15 : memref<32x768xf32, #tpu.memory_space<hbm>>)
    %dma_wait3A_20 = arith.constant 1 : i32
    %dma_wait3A_21 = arith.constant 0 : i32
    %dma_wait3A_22 = tpu.memref_slice %arg4[%mul3A_2, %dma_wait3A_21] : memref<65536x768xf32, #tpu.memory_space<hbm>> -> memref<32x768xf32, #tpu.memory_space<hbm>>
    %dma_wait3A_23 = arith.constant 0 : i32
    %dma_wait3A_24 = arith.constant 0 : i32
    %dma_wait3A_25 = tpu.memref_slice %arg8[%arg1, %dma_wait3A_20, %dma_wait3A_23, %dma_wait3A_24] : memref<16x2x32x768xf32, #tpu.memory_space<vmem_shared>> -> memref<1x1x32x768xf32, #tpu.memory_space<vmem_shared>>
    %dma_wait3A_26 = tpu.memref_squeeze %dma_wait3A_25 : memref<1x1x32x768xf32, #tpu.memory_space<vmem_shared>> -> memref<32x768xf32, #tpu.memory_space<vmem_shared>>
    tpu.wait_dma2 semaphore(%arg12 : memref<!tpu.dma_semaphore, #tpu.memory_space<semaphore_mem>>) src(%dma_wait3A_26 : memref<32x768xf32, #tpu.memory_space<vmem_shared>>) dst(%dma_wait3A_22 : memref<32x768xf32, #tpu.memory_space<hbm>>)
    return
  }
}

</mosaic_0001>

<sc_bundles>
// kernel: kernel.3.cloned.1.call-start
scs
__scs_entry_jumppad:
0x0: {  	(pc) =	sbr.rel $0x88, $3  }
0x1: {  	(tag) =	ssettag $0x0;
	lr =	simm.s32 $0x1  }
0x2: {  	[smem:$0x3F9F] =	sst lr;
	_ =	strace $0xD0000000  }
0x3: {  	_ = 	snop  }
0x4: {  	_ = 	snop  }
0x5: {  	_ = 	snop  }
0x6: {  	_ = 	snop  }
0x7: {  	_ = 	snop  }
__scs_overlays_trampoline_lowered:
0x8: {  	[smem:$0x3FAE] =	sst s0  }
0x9: {  	[smem:$0x3FAF] =	sst s1  }
0xa: {  	[smem:$0x3FB0] =	sst s2  }
0xb: {  	[smem:$0x3FB1] =	sst s3  }
0xc: {  	[smem:$0x3FB2] =	sst s4  }
0xd: {  	[smem:$0x3FB3] =	sst s5  }
0xe: {  	[smem:$0x3FB4] =	sst s6  }
0xf: {  	[smem:$0x3FB5] =	sst s7  }
0x10: {  	[smem:$0x3FB6] =	sst s8  }
0x11: {  	[smem:$0x3FB7] =	sst s9;
	s0 =	simm.s32 @!p0 $0x0  }
0x12: {  	s1 =	sld [smem:$0x3F9D];
	s0 =	simm.s32 @p0 $0x1  }
0x13: {  	[smem:$0x3FB8] =	sst s0;
	s0 =	simm.s32 @!p1 $0x0  }
0x14: {  	s2 =	sld [smem:$0x3F9C];
	s0 =	simm.s32 @p1 $0x1  }
0x15: {  	[smem:$0x3FB9] =	sst s0;
	s0 =	simm.s32 @!p2 $0x0  }
0x16: {  	s3 =	sld [smem:$0x3FDB];
	s0 =	simm.s32 @p2 $0x1  }
0x17: {  	s4 =	simm.s32 $0x1BF5;
	[smem:$0x3FBB] =	sst s0  }
0x18: {  	s0 =	sld [smem:$0x3F9E];
	_ =	swait.ge [sflag:s4], $0x0  }
0x19: {  	s7 =	sld [smem:$0x3F9F]  }
0x1a: {  	s8 =	sadd.s32 $0xFFFFE003, lr  }
0x1b: {  	s9 =	sadd.s32 $0xFFFFFEF7, lr;
	s5 =	simm.s32 $0xFFFFFFFF;
	p2 =	slt.u32 s8, $0xFFFFF086  }
0x1c: {  	p1 =	slt.u32 s9, $0xF7A;
	s5 =	simm.s32 @!p2 $0x0  }
0x1d: {  	s5 =	simm.s32 @p1 $0x1;
	p0 =	seq.s32 s7, s2  }
0x1e: {  	s7 =	smul.u32 @!p0 $0xF7A, s2;
	p2 =	seq.s32 @!p0 s5, $0x0  }
0x1f: {  	s9 =	smul.u32 $0xF7A, s1;
	s8 =	simm.s32 @!p0 $0x1BF5;
	p2 =	por !p2, p0  }
0x20: {  	[sflag:s8] =	ssyncset.s32 @!p0 $0xFFFFF086;
	s6 =	sadd.s32 @!p0 s3, s7;
	s7 =	simm.s32 @!p0 $0x108  }
0x21: {  	s3 =	sadd.s32 s3, s9;
	s6 =	sadd.s32 @!p0 $0x88, s6;
	s7 =	simm.s32 @p2 $0x1082  }
0x22: {  	[simem:s7], [sflag:s8] =	dma.local @!p0 [hbm:s6], $0xF7A  }
0x23: {  	s9 =	sor.u32 $0xD0000000, s2;
	s6 =	simm.s32 $0x108;
	_ =	swait.ge @!p0 [sflag:s8], $0x0  }
0x24: {  	s3 =	sadd.s32 $0x88, s3;
	s6 =	simm.s32 @!p1 $0x1082;
	[sflag:s4] =	ssyncset.s32 $0xFFFFF086  }
0x25: {  	[simem:s6], [sflag:s4] =	dma.local [hbm:s3], $0xF7A  }
0x26: {  	[smem:$0x3F9F] =	sst s1;
	(tag) =	ssettag s2;
	_ =	strace s9  }
0x27: {  	s1 =	sld [smem:$0x3FAF]  }
0x28: {  	s2 =	sld [smem:$0x3FB0]  }
0x29: {  	s4 =	sld [smem:$0x3FB2]  }
0x2a: {  	p0 =	seq.s32 s5, $0x0;
	s5 =	sld [smem:$0x3FB3]  }
0x2b: {  	s6 =	sld [smem:$0x3FB4]  }
0x2c: {  	s7 =	sld [smem:$0x3FB5]  }
0x2d: {  	s3 =	simm.s32 $0x108;
	s8 =	sld [smem:$0x3FB6]  }
0x2e: {  	s3 =	simm.s32 @!p0 $0x1082;
	s9 =	sld [smem:$0x3FB7]  }
0x2f: {  	lr =	sadd.s32 s0, s3;
	s0 =	sld [smem:$0x3FAE]  }
0x30: {  	s3 =	sld [smem:$0x3FB1]  }
0x31: {  	[smem:$0x3FBA] =	sst s10  }
0x32: {  	s10 =	sld [smem:$0x3FB8];
	_ =	sdelay $0x3  }
0x33: {  	p0 =	seq.s32 s10, $0x1;
	s10 =	sld [smem:$0x3FBA];
	_ =	sdelay $0x3  }
0x34: {  	[smem:$0x3FBA] =	sst s10  }
0x35: {  	s10 =	sld [smem:$0x3FB9];
	_ =	sdelay $0x3  }
0x36: {  	p1 =	seq.s32 s10, $0x1;
	s10 =	sld [smem:$0x3FBA];
	_ =	sdelay $0x3  }
0x37: {  	[smem:$0x3FBA] =	sst s10  }
0x38: {  	s10 =	sld [smem:$0x3FBB]  }
0x39: {  	_ = 	snop;
	(pc) =	sbr.ind lr, $3  }
0x3a: {  	_ = 	snop  }
0x3b: {  	_ = 	snop  }
0x3c: {  	p2 =	seq.s32 s10, $0x1;
	s10 =	sld [smem:$0x3FBA]  }
0x3d: {  	_ =	shalt  }
0x3e: {  	_ =	shalt  }
0x3f: {  	_ =	shalt  }
0x40: {  	_ =	shalt  }
0x41: {  	_ =	shalt  }
0x42: {  	_ =	shalt  }
0x43: {  	_ =	shalt  }
0x44: {  	_ =	shalt  }
0x45: {  	_ =	shalt  }
0x46: {  	_ =	shalt  }
0x47: {  	_ =	shalt  }
0x48: {  	_ =	shalt  }
0x49: {  	_ =	shalt  }
0x4a: {  	_ =	shalt  }
0x4b: {  	_ =	shalt  }
0x4c: {  	_ =	shalt  }
0x4d: {  	_ =	shalt  }
0x4e: {  	_ =	shalt  }
0x4f: {  	_ =	shalt  }
0x50: {  	_ =	shalt  }
0x51: {  	_ =	shalt  }
0x52: {  	_ =	shalt  }
0x53: {  	_ =	shalt  }
0x54: {  	_ =	shalt  }
0x55: {  	_ =	shalt  }
0x56: {  	_ =	shalt  }
0x57: {  	_ =	shalt  }
0x58: {  	_ =	shalt  }
0x59: {  	_ =	shalt  }
0x5a: {  	_ =	shalt  }
0x5b: {  	_ =	shalt  }
0x5c: {  	_ =	shalt  }
0x5d: {  	_ =	shalt  }
0x5e: {  	_ =	shalt  }
0x5f: {  	_ =	shalt  }
0x60: {  	_ =	shalt  }
0x61: {  	_ =	shalt  }
0x62: {  	_ =	shalt  }
0x63: {  	_ =	shalt  }
0x64: {  	_ =	shalt  }
0x65: {  	_ =	shalt  }
0x66: {  	_ =	shalt  }
0x67: {  	_ =	shalt  }
0x68: {  	_ =	shalt  }
0x69: {  	_ =	shalt  }
0x6a: {  	_ =	shalt  }
0x6b: {  	_ =	shalt  }
0x6c: {  	_ =	shalt  }
0x6d: {  	_ =	shalt  }
0x6e: {  	_ =	shalt  }
0x6f: {  	_ =	shalt  }
0x70: {  	_ =	shalt  }
0x71: {  	_ =	shalt  }
0x72: {  	_ =	shalt  }
0x73: {  	_ =	shalt  }
0x74: {  	_ =	shalt  }
0x75: {  	_ =	shalt  }
0x76: {  	_ =	shalt  }
0x77: {  	_ =	shalt  }
0x78: {  	_ =	shalt  }
0x79: {  	_ =	shalt  }
0x7a: {  	_ =	shalt  }
0x7b: {  	_ =	shalt  }
0x7c: {  	_ =	shalt  }
0x7d: {  	_ =	shalt  }
0x7e: {  	_ =	shalt  }
0x7f: {  	_ =	shalt  }
0x80: {  	_ =	shalt  }
0x81: {  	_ =	shalt  }
0x82: {  	_ =	shalt  }
0x83: {  	_ =	shalt  }
0x84: {  	_ =	shalt  }
0x85: {  	_ =	shalt  }
0x86: {  	_ =	shalt  }
0x87: {  	_ =	shalt  }
.Lfunc_end0:
.L_simem_size_0:
called_computation_lowered:
.L_overlay_start_0:
0x88: {  	s2 =	sld [smem:$0x3FD9]  }
0x89: {  	s3 =	sld [smem:$0x3FFE];
	_ =	sdelay $0x1  }
0x8a: {  	s1 =	srdreg.scid  }
0x8b: {  	s0 =	sand.u32 $0x1, s1  }
0x8c: {  	s17 =	sshll.u32 s0, $0xA;
	s2 =	sadd.s32 s3, s2  }
0x8d: {  	s2 =	sadd.s32 s2, s17  }
0x8e: {  	[smem:$0x3FC6] =	sst s2  }
0x8f: {  	_ = 	snop  }
0x90: {  	s2 =	sld [smem:$0x3FC9]  }
0x91: {  	s18 =	sld [smem:$0x3FD0];
	(tm) =	ssettm $0x1  }
0x92: {  	s4 =	sld [smem:$0x3FFB];
	_ =	sdelay $0x3  }
0x93: {  	_ =	strace s4  }
0x94: {  	s4 =	sld [smem:$0x3FFC];
	_ =	sdelay $0x3  }
0x95: {  	_ =	strace s4  }
0x96: {  	s4 =	sld [smem:$0x3FFD];
	_ =	sdelay $0x3  }
0x97: {  	_ =	strace s4  }
0x98: {  	_ =	strace $0x8FFFFFFF  }
0x99: {  	s19 =	sld [smem:$0x3FDB];
	_ =	sdelay $0x1  }
0x9a: {  	s5 =	simm.s32 $_scs_section_size  }
0x9b: {  	s6 =	simm.s32 $_size__tile_overlayer_lowered;
	s7 =	simm.s32 $_tile_overlayer_lowered  }
0x9c: {  	s22 =	simm.s32 $0x1BFF;
	s21 =	sshll.u32 s7, $0x1;
	s4 =	sadd.s32 s5, s19  }
0x9d: {  	s8 =	simm.s32 $0x0;
	s20 =	sshll.u32 s6, $0x1;
	s6 =	sadd.s32 s21, s4  }
0x9e: {  	[timem:s8], [sflag:s22] =	dma.local [hbm:s6], s20  }
0x9f: {  	_ =	swait.ge [sflag:s22], s20  }
0xa0: {  	s5 =	ssub.s32 $0x0, s20;
	[sflag:s22] =	ssyncset.done $0x0  }
0xa1: {  	[sflag:s22] =	ssyncadd.s32 s5;
	_ =	sdelay $0x1  }
0xa2: {  	s23 =	simm.s32 $0x1B8B  }
0xa3: {  	_ =	swait.ge [sflag:s23], $0x1  }
0xa4: {  	[sflag:s23] =	ssyncset.done $0x0  }
0xa5: {  	s25 =	simm.s32 $0x1B8E;
	s24 =	sld [smem:$0x3FFE];
	[sflag:s23] =	ssyncadd.s32 $0xFFFFFFFF  }
0xa6: {  	s26 =	simm.s32 $execute0_lowered;
	[smem:$0x3FD2] =	sst s25  }
0xa7: {  	s6 =	sshll.u32 s26, $0x1;
	_ =	strace $0x80000046;
	[dreg:$0x1] =	wrdreg $0xFFFFFFFF  }
0xa8: {  	s28 =	simm.s32 $_size_execute0_lowered;
	s4 =	sadd.s32 s4, s6;
	[dreg:$0x0] =	wrdreg $0x0  }
0xa9: {  	s6 =	sshll.u32 s28, $0x1;
	[dreg:$0x2] =	wrdreg s4  }
0xaa: {  	[dreg:$0x3] =	wrdreg s6  }
0xab: {  	[dreg:$0x4] =	wrdreg $0xC0  }
0xac: {  	_ =	task [dreg:s8], $0x5FFFF  }
0xad: {  	[dreg:$0x1] =	wrdreg $0xFFFFFFFF  }
0xae: {  	[dreg:$0x0] =	wrdreg $0x60  }
0xaf: {  	[dreg:$0x2] =	wrdreg s2  }
0xb0: {  	[dreg:$0x3] =	wrdreg s24  }
0xb1: {  	[dreg:$0x4] =	wrdreg s18  }
0xb2: {  	[dreg:$0x5] =	wrdreg $0xC8000  }
0xb3: {  	[dreg:$0x6] =	wrdreg $0x9  }
0xb4: {  	_ =	task.clear_ibuf [dreg:s8], $0x7FFFF;
	_ =	strace $0x90000046  }
0xb5: {  	s29 =	simm.s32 $0x9;
	_ =	strace $0x80000048  }
0xb6: {  	_ =	swait.ge [sflag:s29], $0x1  }
0xb7: {  	[sflag:s29] =	ssyncadd.s32 $0xFFFFFFFF  }
0xb8: {  	_ =	strace $0x90000048  }
0xb9: {  	_ =	sfence  }
0xba: {  	s30 =	sld [smem:$0x0];
	_ =	sdelay $0x2  }
0xbb: {  	s31 =	sshll.u32 s1, $0xD;
	s1 =	sshrl.u32 s1, $0x2  }
0xbc: {  	s3 =	sand.u32 $0x4000, s31;
	s1 =	sadd.s32 s1, s30  }
0xbd: {  	s0 =	sor.u32 s3, s0;
	s1 =	sshll.u32 s1, $0x11  }
0xbe: {  	s0 =	sor.u32 s1, s0  }
0xbf: {  	s0 =	sadd.s32 $0x8F2B, s0  }
0xc0: {  	[sflag:s0] =	ssyncadd.remote.s32 $0x1  }
0xc1: {  	_ =	sfence.sel $0xFFFF  }
0xc2: {  	[dreg:$0x0] =	wrdreg $0xFFFFFFFF;
	(pc) =	sbr.abs _section_cstart, $3  }
0xc3: {  	[dreg:$0x1] =	wrdreg $0xFFFFFFFF  }
0xc4: {  	_ =	task.clear_ibuf [dreg:s8], $0x2FFFF;
	_ =	strace $0x9FFFFFFF  }
0xc5: {  	(tm) =	ssettm $0x7FFFFFFF  }
tec
execute0_lowered:
.L_overlay_start_1:
0x0: {  	(tag) =	ssettag $0x1  }
0x1: {  	s1 =	rddreg [dreg:$0x0]  }
0x2: {  	s0 =	rddreg [dreg:$0x1]  }
0x3: {  	s10 =	rddreg [dreg:$0x2]  }
0x4: {  	s6 =	rddreg [dreg:$0x3]  }
0x5: {  	s3 =	srdreg.scid;
	s2 =	stileid.u32  }
0x6: {  	s18 =	simm.s32 $0x7000;
	s19 =	simm.s32 $0x7800;
	s20 =	simm.s32 $0x8000  }
0x7: {  	s21 =	simm.s32 $0x8800;
	s4 =	sand.u32 $0x1, s3;
	s3 =	simm.s32 $0x0  }
0x8: {  	s22 =	simm.s32 $0x9000;
	s23 =	simm.s32 $0x9800;
	[smem:$0x7FF] =	sst s3  }
0x9: {  	s24 =	simm.s32 $0xA000;
	_ =	strace $0x80000047;
	[dreg:$0x7] =	wrdreg s18  }
0xa: {  	s25 =	simm.s32 $0xA800;
	s26 =	simm.s32 $0xB000;
	[dreg:$0x8] =	wrdreg s19  }
0xb: {  	s30 =	simm.s32 $0xB800;
	s31 =	simm.s32 $0xC000;
	[dreg:$0x9] =	wrdreg s20  }
0xc: {  	s28 =	simm.s32 $0x4;
	s29 =	simm.s32 $0x0;
	[dreg:$0xa] =	wrdreg s21  }
0xd: {  	s5 =	sshll.u32 s2, $0xC;
	s9 =	smul.u32 $0x30000, s2;
	[dreg:$0xb] =	wrdreg s22  }
0xe: {  	s7 =	sshll.u32 s4, $0xB;
	s4 =	ssub.s32 $0x2, s4;
	[dreg:$0xc] =	wrdreg s23  }
0xf: {  	s5 =	sor.u32 s7, s5;
	s8 =	sshrl.u32 s4, $0x1;
	[dreg:$0xd] =	wrdreg s24  }
0x10: {  	s16 =	sshrl.u32 s9, $0x2;
	s18 =	simm.s32 $0x4000;
	[dreg:$0xe] =	wrdreg s25  }
0x11: {  	s19 =	simm.s32 $0x4800;
	s20 =	simm.s32 $0x5000;
	[dreg:$0xf] =	wrdreg s26  }
0x12: {  	s21 =	simm.s32 $0x5800;
	s22 =	simm.s32 $0x6000;
	[dreg:$0x10] =	wrdreg s30  }
0x13: {  	s23 =	simm.s32 $0x6800;
	[dreg:$0x11] =	wrdreg s31;
	s24 =	simm.s32 $0x1  }
0x14: {  	s25 =	simm.s32 $0x2;
	s26 =	simm.s32 $0x3;
	s7 =	sshrl.u32 s5, $0x3  }
0x15: {  	s11 =	ssub.s32 s4, s8;
	s15 =	sor.u32 $0x20, s5;
	s5 =	sadd.s32 $0x100, s1  }
0x16: {  	s6 =	sadd.s32 s16, s6;
	s16 =	simm.s32 $0x3000;
	s0 =	sadd.s32 s7, s0  }
0x17: {  	s17 =	smul.u32 $0x300, s7;
	s4 =	sadd.s32 $0x400, s0;
	s0 =	sshrl.u32 s15, $0x3  }
0x18: {  	s7 =	sadd.s32 $0x200, s1;
	s8 =	sadd.s32 $0x6000, s6;
	s0 =	smul.u32 $0x300, s0  }
0x19: {  	v2 =	vlaneseq.u32;
	s9 =	smax.u32 s11, $0x1;
	s11 =	simm.s32 $0x800;
	s12 =	sadd.s32 s17, s10  }
0x1a: {  	vm0 =	vmmov $0xffff;
	v1 =	vshrl.u32 v2, $0x3;
	s15 =	simm.s32 $0x2800;
	[dreg:$0x5] =	wrdreg s12;
	s0 =	sadd.s32 s0, s10  }
0x1b: {  	v0 =	vand.u32 $0x7, v2;
	v2 =	vor.u32 $0x8, v2;
	v1 =	vmul.u32 $0x8, v1;
	s17 =	simm.s32 $0x3800;
	s10 =	simm.s32 $0x5;
	[dreg:$0x6] =	wrdreg s0  }
.LBB2_1:
0x1c: {  	[tilespmem:s3], [sflag:$0x5] =	stream.linear.gather [hbm4b:s4+s3], $0x800, $0x38;
	[tilespmem:$0x18800] =	vst v63  }
0x1d: {  	_ =	swait.ge [sflag:s10], $0x800  }
0x1e: {  	[sflag:s10] =	ssyncset.done $0x0  }
0x1f: {  	[sflag:s10] =	ssyncadd.s32 $0xFFFFF800  }
0x20: {  	v3 =	vld [tilespmem:$0x0];
	_ =	sdelay $0x4  }
0x21: {  	v4 =	vshrl.u32 v3, $0x3  }
0x22: {  	v4 =	vmul.u32 $0x30, v4  }
0x23: {  	v3 =	vand.u32 $0x7, v3  }
0x24: {  	v3 =	vor.u32 v3, v4  }
0x25: {  	v4 =	vperm.xlane v3, v0;
	_ =	sdelay $0x1  }
0x26: {  	v4 =	vadd.s32 v1, v4;
	_ =	sdelay $0x3  }
0x27: {  	v3 =	vperm.xlane v3, v2  }
0x28: {  	[tilespmem:s11], [sflag:$0x1] =	stream.indirect_vreg.gather [hbm4b:s1+s3], $0x80, v4, vm0, $0xb8;
	[tilespmem:$0x18800] =	vst v63  }
0x29: {  	s0 =	simm.s32 $0x1000;
	v3 =	vadd.s32 v1, v3  }
0x2a: {  	[tilespmem:s0], [sflag:$0x1] =	stream.indirect_vreg.gather [hbm4b:s5+s3], $0x80, v4, vm0, $0xb8;
	[tilespmem:$0x18800] =	vst v63  }
0x2b: {  	s13 =	simm.s32 $0x1800  }
0x2c: {  	[tilespmem:s13], [sflag:$0x1] =	stream.indirect_vreg.gather [hbm4b:s7+s3], $0x80, v4, vm0, $0xb8;
	[tilespmem:$0x18800] =	vst v63  }
0x2d: {  	s14 =	simm.s32 $0x2000  }
0x2e: {  	[tilespmem:s14], [sflag:$0x1] =	stream.indirect_vreg.gather [hbm4b:s1+s3], $0x80, v3, vm0, $0xb8;
	[tilespmem:$0x18800] =	vst v63  }
0x2f: {  	_ = 	snop  }
0x30: {  	[tilespmem:s15], [sflag:$0x1] =	stream.indirect_vreg.gather [hbm4b:s5+s3], $0x80, v3, vm0, $0xb8;
	[tilespmem:$0x18800] =	vst v63  }
0x31: {  	_ = 	snop  }
0x32: {  	[tilespmem:s16], [sflag:$0x1] =	stream.indirect_vreg.gather [hbm4b:s7+s3], $0x80, v3, vm0, $0xb8;
	[tilespmem:$0x18800] =	vst v63  }
0x33: {  	v3 =	vld [tilespmem:$0x10];
	_ =	sdelay $0x4  }
0x34: {  	v63 =	vshrl.u32 v3, $0x3  }
0x35: {  	v4 =	vmul.u32 $0x30, v63  }
0x36: {  	v3 =	vand.u32 $0x7, v3  }
0x37: {  	v3 =	vor.u32 v3, v4  }
0x38: {  	v4 =	vperm.xlane v3, v0;
	_ =	sdelay $0x1  }
0x39: {  	v4 =	vadd.s32 v1, v4;
	_ =	sdelay $0x3  }
0x3a: {  	v3 =	vperm.xlane v3, v2  }
0x3b: {  	[tilespmem:s17], [sflag:$0x1] =	stream.indirect_vreg.gather [hbm4b:s1+s3], $0x80, v4, vm0, $0xb8;
	[tilespmem:$0x18800] =	vst v63  }
0x3c: {  	v3 =	vadd.s32 v1, v3  }
0x3d: {  	[tilespmem:s18], [sflag:$0x1] =	stream.indirect_vreg.gather [hbm4b:s5+s3], $0x80, v4, vm0, $0xb8;
	[tilespmem:$0x18800] =	vst v63  }
0x3e: {  	_ = 	snop  }
0x3f: {  	[tilespmem:s19], [sflag:$0x1] =	stream.indirect_vreg.gather [hbm4b:s7+s3], $0x80, v4, vm0, $0xb8;
	[tilespmem:$0x18800] =	vst v63  }
0x40: {  	_ = 	snop  }
0x41: {  	[tilespmem:s20], [sflag:$0x1] =	stream.indirect_vreg.gather [hbm4b:s1+s3], $0x80, v3, vm0, $0xb8;
	[tilespmem:$0x18800] =	vst v63  }
0x42: {  	_ = 	snop  }
0x43: {  	[tilespmem:s21], [sflag:$0x1] =	stream.indirect_vreg.gather [hbm4b:s5+s3], $0x80, v3, vm0, $0xb8;
	[tilespmem:$0x18800] =	vst v63  }
0x44: {  	s30 =	simm.s32 $0x30;
	s31 =	simm.s32 $0x0  }
0x45: {  	[tilespmem:s22], [sflag:$0x1] =	stream.indirect_vreg.gather [hbm4b:s7+s3], $0x80, v3, vm0, $0xb8;
	[tilespmem:$0x18800] =	vst v63  }
.LBB2_2:
0x46: {  	p0 =	seq.s32 s31, $0x0  }
0x47: {  	s0 =	simm.s32 @!p0 $0x4  }
0x48: {  	_ =	swait.ge @!p0 [sflag:s0], $0xC00  }
0x49: {  	[sflag:s0] =	ssyncset.done @!p0 $0x0  }
0x4a: {  	[sflag:s0] =	ssyncadd.s32 @!p0 $0xFFFFF400  }
0x4b: {  	v3 =	vld [tilespmem:s30+$0xFFFFFFF0];
	_ =	sdelay $0x4  }
0x4c: {  	v4 =	vshrl.u32 v3, $0x3  }
0x4d: {  	v4 =	vmul.u32 $0x30, v4  }
0x4e: {  	v3 =	vand.u32 $0x7, v3  }
0x4f: {  	v3 =	vor.u32 v3, v4  }
0x50: {  	v4 =	vperm.xlane v3, v0;
	_ =	sdelay $0x1  }
0x51: {  	v4 =	vadd.s32 v1, v4;
	_ =	sdelay $0x3  }
0x52: {  	v3 =	vperm.xlane v3, v2  }
0x53: {  	[tilespmem:s23], [sflag:$0x2] =	stream.indirect_vreg.gather [hbm4b:s1+s3], $0x80, v4, vm0, $0xb8;
	[tilespmem:$0x18800] =	vst v63  }
0x54: {  	s13 =	rddreg [dreg:$0x7];
	v3 =	vadd.s32 v1, v3  }
0x55: {  	[tilespmem:s13], [sflag:$0x2] =	stream.indirect_vreg.gather [hbm4b:s5+s3], $0x80, v4, vm0, $0xb8;
	[tilespmem:$0x18800] =	vst v63  }
0x56: {  	s12 =	rddreg [dreg:$0x8]  }
0x57: {  	[tilespmem:s12], [sflag:$0x2] =	stream.indirect_vreg.gather [hbm4b:s7+s3], $0x80, v4, vm0, $0xb8;
	[tilespmem:$0x18800] =	vst v63  }
0x58: {  	s14 =	rddreg [dreg:$0x9]  }
0x59: {  	[tilespmem:s14], [sflag:$0x2] =	stream.indirect_vreg.gather [hbm4b:s1+s3], $0x80, v3, vm0, $0xb8;
	[tilespmem:$0x18800] =	vst v63  }
0x5a: {  	s13 =	rddreg [dreg:$0xa]  }
0x5b: {  	[tilespmem:s13], [sflag:$0x2] =	stream.indirect_vreg.gather [hbm4b:s5+s3], $0x80, v3, vm0, $0xb8;
	[tilespmem:$0x18800] =	vst v63  }
0x5c: {  	s14 =	rddreg [dreg:$0xb]  }
0x5d: {  	[tilespmem:s14], [sflag:$0x2] =	stream.indirect_vreg.gather [hbm4b:s7+s3], $0x80, v3, vm0, $0xb8;
	[tilespmem:$0x18800] =	vst v63  }
0x5e: {  	v3 =	vld [tilespmem:s30+$0x0];
	_ =	sdelay $0x4  }
0x5f: {  	v63 =	vshrl.u32 v3, $0x3  }
0x60: {  	v4 =	vmul.u32 $0x30, v63  }
0x61: {  	v3 =	vand.u32 $0x7, v3  }
0x62: {  	v3 =	vor.u32 v3, v4  }
0x63: {  	v4 =	vperm.xlane v3, v0;
	_ =	sdelay $0x1  }
0x64: {  	v4 =	vadd.s32 v1, v4;
	_ =	sdelay $0x3  }
0x65: {  	s12 =	rddreg [dreg:$0xc];
	v3 =	vperm.xlane v3, v2  }
0x66: {  	[tilespmem:s12], [sflag:$0x2] =	stream.indirect_vreg.gather [hbm4b:s1+s3], $0x80, v4, vm0, $0xb8;
	[tilespmem:$0x18800] =	vst v63  }
0x67: {  	s13 =	rddreg [dreg:$0xd];
	v3 =	vadd.s32 v1, v3  }
0x68: {  	[tilespmem:s13], [sflag:$0x2] =	stream.indirect_vreg.gather [hbm4b:s5+s3], $0x80, v4, vm0, $0xb8;
	[tilespmem:$0x18800] =	vst v63  }
0x69: {  	s14 =	rddreg [dreg:$0xe]  }
0x6a: {  	[tilespmem:s14], [sflag:$0x2] =	stream.indirect_vreg.gather [hbm4b:s7+s3], $0x80, v4, vm0, $0xb8;
	[tilespmem:$0x18800] =	vst v63  }
0x6b: {  	s13 =	rddreg [dreg:$0xf]  }
0x6c: {  	[tilespmem:s13], [sflag:$0x2] =	stream.indirect_vreg.gather [hbm4b:s1+s3], $0x80, v3, vm0, $0xb8;
	[tilespmem:$0x18800] =	vst v63  }
0x6d: {  	s14 =	rddreg [dreg:$0x10]  }
0x6e: {  	[tilespmem:s14], [sflag:$0x2] =	stream.indirect_vreg.gather [hbm4b:s5+s3], $0x80, v3, vm0, $0xb8;
	[tilespmem:$0x18800] =	vst v63  }
0x6f: {  	s13 =	rddreg [dreg:$0x11]  }
0x70: {  	[tilespmem:s13], [sflag:$0x2] =	stream.indirect_vreg.gather [hbm4b:s7+s3], $0x80, v3, vm0, $0xb8;
	[tilespmem:$0x18800] =	vst v63  }
0x71: {  	_ =	swait.ge [sflag:s24], $0x6000  }
0x72: {  	[sflag:s24] =	ssyncset.done $0x0  }
0x73: {  	[sflag:s24] =	ssyncadd.s32 $0xFFFFA000  }
0x74: {  	[spmem:s6] =	stream.linear.scatter [tilespmem:s11], [sflag:$0x5], $0x6000, $0x38;
	[tilespmem:$0x18800] =	vst v63  }
0x75: {  	s0 =	sshll.u32 s2, $0x6;
	p0 =	seq.s32 s31, $0x2E800;
	_ =	swait.ge [sflag:s10], $0x6000  }
0x76: {  	s13 =	sor.u32 $0x1C03, s0;
	s14 =	rddreg [dreg:$0x5];
	[sflag:s10] =	ssyncset.done $0x0  }
0x77: {  	[sflag:s10] =	ssyncadd.s32 $0xFFFFA000;
	s12 =	sadd.s32 s31, s14;
	s14 =	sshrl.u32 s6, $0x3  }
0x78: {  	[hbm:s12], [sflag:s13] =	dma.local [spmem:s14], $0xC00  }
0x79: {  	s12 =	simm.s32 @!p0 $0x3  }
0x7a: {  	_ =	swait.ge @!p0 [sflag:s12], $0xC00  }
0x7b: {  	[sflag:s12] =	ssyncset.done @!p0 $0x0  }
0x7c: {  	[sflag:s12] =	ssyncadd.s32 @!p0 $0xFFFFF400  }
0x7d: {  	v3 =	vld @!p0 [tilespmem:s30+$0x10];
	_ =	sdelay $0x4  }
0x7e: {  	v4 =	vshrl.u32 @!p0 v3, $0x3  }
0x7f: {  	v4 =	vmul.u32 @!p0 $0x30, v4  }
0x80: {  	v5 =	vlaneseq.u32 @!p0;
	v3 =	vand.u32 @!p0 $0x7, v3  }
0x81: {  	v6 =	vshrl.u32 @!p0 v5, $0x3;
	v3 =	vor.u32 @!p0 v3, v4;
	v4 =	vand.u32 @!p0 $0x7, v5  }
0x82: {  	v6 =	vmul.u32 @!p0 $0x8, v6;
	v7 =	vperm.xlane @!p0 v3, v4;
	_ =	sdelay $0x1  }
0x83: {  	v7 =	vadd.s32 @!p0 v6, v7;
	_ =	sdelay $0x2  }
0x84: {  	v5 =	vor.u32 @!p0 $0x8, v5  }
0x85: {  	vm1 =	vmmov @!p0 $0xffff;
	s13 =	simm.s32 @!p0 $0x800;
	s12 =	simm.s32 @!p0 $0x0;
	v3 =	vperm.xlane @!p0 v3, v5  }
0x86: {  	[tilespmem:s13], [sflag:$0x1] =	stream.indirect_vreg.gather @!p0 [hbm4b:s1+s12], $0x80, v7, vm1, $0xb8;
	[tilespmem:$0x18800] =	vst v63  }
0x87: {  	v3 =	vadd.s32 @!p0 v6, v3;
	s13 =	simm.s32 @!p0 $0x1000  }
0x88: {  	[tilespmem:s13], [sflag:$0x1] =	stream.indirect_vreg.gather @!p0 [hbm4b:s5+s12], $0x80, v7, vm1, $0xb8;
	[tilespmem:$0x18800] =	vst v63  }
0x89: {  	s13 =	simm.s32 @!p0 $0x1800  }
0x8a: {  	[tilespmem:s13], [sflag:$0x1] =	stream.indirect_vreg.gather @!p0 [hbm4b:s7+s12], $0x80, v7, vm1, $0xb8;
	[tilespmem:$0x18800] =	vst v63  }
0x8b: {  	s13 =	simm.s32 @!p0 $0x2000  }
0x8c: {  	[tilespmem:s13], [sflag:$0x1] =	stream.indirect_vreg.gather @!p0 [hbm4b:s1+s12], $0x80, v3, vm1, $0xb8;
	[tilespmem:$0x18800] =	vst v63  }
0x8d: {  	s13 =	simm.s32 @!p0 $0x2800  }
0x8e: {  	[tilespmem:s13], [sflag:$0x1] =	stream.indirect_vreg.gather @!p0 [hbm4b:s5+s12], $0x80, v3, vm1, $0xb8;
	[tilespmem:$0x18800] =	vst v63  }
0x8f: {  	s13 =	simm.s32 @!p0 $0x3000  }
0x90: {  	[tilespmem:s13], [sflag:$0x1] =	stream.indirect_vreg.gather @!p0 [hbm4b:s7+s12], $0x80, v3, vm1, $0xb8;
	[tilespmem:$0x18800] =	vst v63  }
0x91: {  	v3 =	vld @!p0 [tilespmem:s30+$0x20];
	_ =	sdelay $0x4  }
0x92: {  	v7 =	vshrl.u32 @!p0 v3, $0x3  }
0x93: {  	v7 =	vmul.u32 @!p0 $0x30, v7  }
0x94: {  	v3 =	vand.u32 @!p0 $0x7, v3  }
0x95: {  	v3 =	vor.u32 @!p0 v3, v7  }
0x96: {  	v4 =	vperm.xlane @!p0 v3, v4;
	_ =	sdelay $0x1  }
0x97: {  	v4 =	vadd.s32 @!p0 v6, v4;
	_ =	sdelay $0x3  }
0x98: {  	s13 =	simm.s32 @!p0 $0x3800;
	v3 =	vperm.xlane @!p0 v3, v5  }
0x99: {  	[tilespmem:s13], [sflag:$0x1] =	stream.indirect_vreg.gather @!p0 [hbm4b:s1+s12], $0x80, v4, vm1, $0xb8;
	[tilespmem:$0x18800] =	vst v63  }
0x9a: {  	v3 =	vadd.s32 @!p0 v6, v3;
	s13 =	simm.s32 @!p0 $0x4000  }
0x9b: {  	[tilespmem:s13], [sflag:$0x1] =	stream.indirect_vreg.gather @!p0 [hbm4b:s5+s12], $0x80, v4, vm1, $0xb8;
	[tilespmem:$0x18800] =	vst v63  }
0x9c: {  	s13 =	simm.s32 @!p0 $0x4800  }
0x9d: {  	[tilespmem:s13], [sflag:$0x1] =	stream.indirect_vreg.gather @!p0 [hbm4b:s7+s12], $0x80, v4, vm1, $0xb8;
	[tilespmem:$0x18800] =	vst v63  }
0x9e: {  	s13 =	simm.s32 @!p0 $0x5000  }
0x9f: {  	[tilespmem:s13], [sflag:$0x1] =	stream.indirect_vreg.gather @!p0 [hbm4b:s1+s12], $0x80, v3, vm1, $0xb8;
	[tilespmem:$0x18800] =	vst v63  }
0xa0: {  	s13 =	simm.s32 @!p0 $0x5800  }
0xa1: {  	[tilespmem:s13], [sflag:$0x1] =	stream.indirect_vreg.gather @!p0 [hbm4b:s5+s12], $0x80, v3, vm1, $0xb8;
	[tilespmem:$0x18800] =	vst v63  }
0xa2: {  	s13 =	simm.s32 @!p0 $0x6000  }
0xa3: {  	[tilespmem:s13], [sflag:$0x1] =	stream.indirect_vreg.gather @!p0 [hbm4b:s7+s12], $0x80, v3, vm1, $0xb8;
	[tilespmem:$0x18800] =	vst v63  }
0xa4: {  	_ =	swait.ge [sflag:s25], $0x6000  }
0xa5: {  	[sflag:s25] =	ssyncset.done $0x0  }
0xa6: {  	[sflag:s25] =	ssyncadd.s32 $0xFFFFA000  }
0xa7: {  	[spmem:s8] =	stream.linear.scatter [tilespmem:s23], [sflag:$0x5], $0x6000, $0x38;
	[tilespmem:$0x18800] =	vst v63  }
0xa8: {  	_ =	swait.ge [sflag:s10], $0x6000  }
0xa9: {  	s13 =	rddreg [dreg:$0x6]  }
0xaa: {  	s12 =	sadd.s32 s31, s13;
	s31 =	sadd.s32 $0x1800, s31  }
0xab: {  	p0 =	sne.s32 s31, $0x30000  }
.Ltmp0:
0xac: {  	_ = 	snop;
	(pc) =	sbr.rel @p0 .LBB2_2-.Ltmp0, $4  }
0xad: {  	_ = 	snop  }
0xae: {  	s0 =	sor.u32 $0x1C04, s0;
	[sflag:s10] =	ssyncset.done $0x0  }
0xaf: {  	s14 =	sshrl.u32 s8, $0x3;
	s30 =	sadd.s32 $0x40, s30;
	[sflag:s10] =	ssyncadd.s32 $0xFFFFA000  }
0xb0: {  	[hbm:s12], [sflag:s0] =	dma.local [spmem:s14], $0xC00  }
0xb1: {  	s29 =	sadd.s32 $0x1, s29  }
0xb2: {  	_ =	swait.ge [sflag:s26], $0xC00;
	p0 =	sne.s32 s29, s9  }
.Ltmp1:
0xb3: {  	[sflag:s26] =	ssyncset.done $0x0;
	(pc) =	sbr.rel @p0 .LBB2_1-.Ltmp1, $4  }
0xb4: {  	[sflag:s26] =	ssyncadd.s32 $0xFFFFF400  }
0xb5: {  	_ =	swait.ge [sflag:s28], $0xC00  }
0xb6: {  	[sflag:s28] =	ssyncset.done $0x0  }
0xb7: {  	[sflag:s28] =	ssyncadd.s32 $0xFFFFF400  }
0xb8: {  	_ =	sfence.sel $0x180000  }
0xb9: {  	[bflag:$0x0] =	sbarrier.arrive $0xFFFF  }
0xba: {  	_ =	strace $0x90000047  }
0xbb: {  	[bflag:$0x2] =	sbarrier.arrive $0xFFFF  }
0xbc: {  	p0 =	sne.s32 s2, $0x0;
	s0 =	rddreg [dreg:$0x4]  }
0xbd: {  	s0 =	sadd.s32 @!p0 $0x100000, s0  }
0xbe: {  	[sflag:s0] =	ssyncadd.tile.s32 @!p0 $0x1;
	_ =	shalt  }
.Lfunc_end2:
_tile_overlayer_lowered:
.L_overlay_start_2:
0xbf: {  	(tag) =	ssettag $0x2  }
0xc0: {  	s0 =	rddreg [dreg:$0x0];
	s2 =	stileid.u32  }
0xc1: {  	s1 =	rddreg [dreg:$0x1];
	p0 =	sne.s32 s2, $0x0  }
0xc2: {  	s3 =	rddreg [dreg:$0x2];
	[bflag:$0x3] =	sbarrier.arrive $0xFFFF;
	s2 =	simm.s32 @!p0 $0x1C05  }
0xc3: {  	[timem:s3], [sflag:s2] =	dma.local @!p0 [hbm:s0], s1  }
0xc4: {  	s0 =	simm.s32 @!p0 $0x5  }
0xc5: {  	_ =	swait.ge @!p0 [sflag:s0], s1  }
0xc6: {  	s1 =	ssub.s32 @!p0 $0x0, s1;
	[sflag:s0] =	ssyncset.done @!p0 $0x0  }
0xc7: {  	[sflag:s0] =	ssyncadd.s32 @!p0 s1  }
0xc8: {  	[bflag:$0x3] =	sbarrier.arrive $0xFFFF  }
0xc9: {  	_ =	shalt  }

</sc_bundles>
